<compile_context>
chip_gen: v7x
topology: tpu7x:2x2x1
jax: 0.10.2.dev20260603
libtpu: 0.0.44.dev20260713+nightly
codegen_flags: <defaults>
</compile_context>

<pallas_src>
import functools

import jax
import jax.numpy as jnp
from jax import lax
from jax.experimental import pallas as pl
from jax.experimental.pallas import tpu as pltpu
from jax.experimental.pallas import tpu_sc as plsc

_EMB_D = 768
_E_POOL = 100
_E_P_LEN = 40
_B = 256
_HALF = _E_P_LEN // 2
_ROW = _HALF * _EMB_D
_NC = 2
_NS = 16
_NW = _NC * _NS
_BPW = _B // _NW


def _route_body(xq_ref, ek_ref, iek_ref, iev_ref):
    ek = ek_ref[...]
    norm = jnp.sqrt(jnp.sum(ek * ek, axis=1, keepdims=True))
    kn = ek / jnp.maximum(norm, 1e-12)
    s = lax.dot_general(
        xq_ref[...], kn, (((1,), (1,)), ((), ())),
        preferred_element_type=jnp.float32,
    )
    m = jnp.max(s, axis=1, keepdims=True)
    col = lax.broadcasted_iota(jnp.int32, s.shape, 1)
    idx = jnp.min(jnp.where(s >= m, col, jnp.int32(2**30)), axis=1)
    iek_ref[...] = 2 * idx
    iev_ref[...] = 2 * idx + 1


def _route(x_querry, e_k):
    return pl.pallas_call(
        _route_body,
        out_shape=(
            jax.ShapeDtypeStruct((_B,), jnp.int32),
            jax.ShapeDtypeStruct((_B,), jnp.int32),
        ),
    )(x_querry, e_k)


def _gather_body(table_hbm, iek_hbm, iev_hbm, ek_out, ev_out, idx_v, rows_v, sem):
    wid = lax.axis_index("s") * _NC + lax.axis_index("c")
    base = wid * _BPW
    pltpu.sync_copy(iek_hbm.at[pl.ds(base, _BPW)], idx_v)
    pltpu.async_copy(table_hbm.at[idx_v], rows_v, sem).wait()
    pltpu.sync_copy(rows_v, ek_out.at[pl.ds(base, _BPW)])
    pltpu.sync_copy(iev_hbm.at[pl.ds(base, _BPW)], idx_v)
    pltpu.async_copy(table_hbm.at[idx_v], rows_v, sem).wait()
    pltpu.sync_copy(rows_v, ev_out.at[pl.ds(base, _BPW)])


@functools.cache
def _make_gather():
    mesh = plsc.VectorSubcoreMesh(
        core_axis_name="c", subcore_axis_name="s", num_cores=_NC, num_subcores=_NS
    )
    return pl.kernel(
        _gather_body,
        out_type=(
            jax.ShapeDtypeStruct((_B, _ROW), jnp.float32),
            jax.ShapeDtypeStruct((_B, _ROW), jnp.float32),
        ),
        mesh=mesh,
        scratch_types=[
            pltpu.VMEM((_BPW,), jnp.int32),
            pltpu.VMEM((_BPW, _ROW), jnp.float32),
            pltpu.SemaphoreType.DMA,
        ],
    )


def kernel(x_querry, l, x_block, e_p, e_k):
    del l
    iek, iev = _route(x_querry, e_k)
    table = e_p.reshape(2 * _E_POOL, _ROW)
    ek_flat, ev_flat = _make_gather()(table, iek, iev)
    Ek = ek_flat.reshape(_B, _HALF, _EMB_D)
    Ev = ev_flat.reshape(_B, _HALF, _EMB_D)
    return (Ek, Ev, x_block)

# --- scband reference (transcript-rebuilt; emitter-appended) ---
"""Pipeline reference for scband-dual-adapt-64149631533758 (READ-ONLY COPY).

The authoritative reference and input builder live on the scoring server;
editing this copy changes nothing except your own understanding.
"""

import jax, jax.numpy as jnp
import numpy as np

EMB_D = 768
E_POOL = 100
E_P_LEN = 40
TOP_K = 1
E_LAYERS = (3, 4, 5)
G_LAYERS = (0, 1)
B = 256
SEQ = 197


def _normalize(x, axis):
    # matches torch.nn.functional.normalize(p=2, eps=1e-12)
    n = jnp.linalg.norm(x, axis=axis, keepdims=True)
    return x / jnp.maximum(n, 1e-12)


def setup_inputs(seed: int = 0) -> dict:
    key = jax.random.key(seed)
    k1, k2, k3, k4 = jax.random.split(key, 4)
    x_querry = jax.random.normal(k1, (B, EMB_D), dtype=jnp.float32)
    x_block = jax.random.normal(k2, (B, SEQ, EMB_D), dtype=jnp.float32)
    # learned params: prompt pool and keys, nn.init.uniform_ -> U[0,1)
    e_p = jax.random.uniform(k3, (E_POOL, E_P_LEN, EMB_D), dtype=jnp.float32)
    e_k = jax.random.uniform(k4, (E_POOL, EMB_D), dtype=jnp.float32)
    return {"x_querry": x_querry, "l": 3, "x_block": x_block, "e_p": e_p, "e_k": e_k}


def reference(x_querry, l, x_block, e_p, e_k):
    # Eval path (train=False) of DualAdapt.forward for l in e_layers.
    # l=3 is an e-layer: cosine-sim routing over the prompt-key pool,
    # top-1 selection, gather of the selected prompt, split into Ek/Ev.
    # g-layer adapters (l in {0, 1}) are not exercised for l=3; x_block passes through.
    is_e = jnp.any(jnp.asarray(E_LAYERS) == l)
    n_K = _normalize(e_k, 1)
    q = jax.lax.stop_gradient(_normalize(x_querry, 1))  # .detach() in torch
    cos_sim = jnp.einsum('bj,kj->bk', q, n_K)
    top_vals, ix = jax.lax.top_k(cos_sim, TOP_K)
    k_idx = ix  # [B, top_k]
    P_ = e_p[k_idx][:, 0]  # p[k_idx][:, 0] -> [B, e_p_length, emb_d]
    i = E_P_LEN // 2
    Ek = jnp.where(is_e, P_[:, :i, :], P_[:, :i, :])
    Ev = P_[:, i:, :]
    # (frequency_current bincount update is a python-side stateful side effect;
    # it does not affect the returned tensors and is omitted here.)
    return (Ek, Ev, x_block)

if __name__ == "__main__":
    import jax
    _d = setup_inputs()
    print(jax.jit(kernel)(*tuple(_d.values())))

</pallas_src>

<mosaic_0001>
#map = affine_map<(d0, d1) -> (0, 0)>
#map1 = affine_map<(d0, d1) -> (0)>
module attributes {stable_mosaic.version = 14 : i64} {
  func.func @_gather_body(%arg0: i32, %arg1: i32, %arg2: memref<200x15360xf32, #tpu.memory_space<hbm>>, %arg3: memref<256xi32, #tpu.memory_space<hbm>>, %arg4: memref<256xi32, #tpu.memory_space<hbm>>, %arg5: memref<256x15360xf32, #tpu.memory_space<hbm>>, %arg6: memref<256x15360xf32, #tpu.memory_space<hbm>>, %arg7: memref<8xi32, #tpu.memory_space<vmem>>, %arg8: memref<8x15360xf32, #tpu.memory_space<vmem>>, %arg9: memref<!tpu.dma_semaphore, #tpu.memory_space<semaphore_mem>>) attributes {dimension_semantics = [#tpu.dimension_semantics<core_parallel>, #tpu.dimension_semantics<subcore_parallel>], iteration_bounds = array<i64: 2, 16>, scalar_prefetch = 0 : i64, scratch_operands = 3 : i64, tpu.core_type = #tpu.core_type<sc_vector_subcore>, window_params = [{transform_indices = #map}, {transform_indices = #map1}, {transform_indices = #map1}, {transform_indices = #map}, {transform_indices = #map}]} {
    %mul3A = arith.constant 2 : i32
    %mul3A_0 = arith.muli %arg1, %mul3A : i32
    %add3A = arith.addi %mul3A_0, %arg0 : i32
    %mul3A_1 = arith.constant 8 : i32
    %mul3A_2 = arith.muli %add3A, %mul3A_1 : i32
    "tpu.region"() ({
      %run_scoped3A = tpu.sem_alloc : memref<!tpu.dma_semaphore, #tpu.memory_space<semaphore_mem>>
      %dma_start3A_13 = tpu.memref_slice %arg3[%mul3A_2] : memref<256xi32, #tpu.memory_space<hbm>> -> memref<8xi32, #tpu.memory_space<hbm>>
      %dma_start3A_14 = tpu.memref_slice %arg3[%mul3A_2] : memref<256xi32, #tpu.memory_space<hbm>> -> memref<8xi32, #tpu.memory_space<hbm>>
      tpu.enqueue_dma source(%dma_start3A_14 : memref<8xi32, #tpu.memory_space<hbm>>) target(%arg7 : memref<8xi32, #tpu.memory_space<vmem>>) target_semaphore(%run_scoped3A : memref<!tpu.dma_semaphore, #tpu.memory_space<semaphore_mem>>)
      %dma_wait3A_15 = tpu.memref_slice %arg3[%mul3A_2] : memref<256xi32, #tpu.memory_space<hbm>> -> memref<8xi32, #tpu.memory_space<hbm>>
      %dma_wait3A_16 = tpu.memref_slice %arg3[%mul3A_2] : memref<256xi32, #tpu.memory_space<hbm>> -> memref<8xi32, #tpu.memory_space<hbm>>
      tpu.wait_dma2 semaphore(%run_scoped3A : memref<!tpu.dma_semaphore, #tpu.memory_space<semaphore_mem>>) src(%dma_wait3A_16 : memref<8xi32, #tpu.memory_space<hbm>>) dst(%arg7 : memref<8xi32, #tpu.memory_space<vmem>>)
      tpu.yield
    }) : () -> ()
    %dma_start3A = arith.constant 0 : i32
    %dma_start3A_3 = arith.constant 0 : i32
    %dma_start3A_4 = tpu.memref_slice %arg2[%dma_start3A, %dma_start3A_3] : memref<200x15360xf32, #tpu.memory_space<hbm>> -> memref<200x15360xf32, #tpu.memory_space<hbm>>
    tpu.enqueue_indirect_dma source(%dma_start3A_4 : memref<200x15360xf32, #tpu.memory_space<hbm>>) target(%arg8 : memref<8x15360xf32, #tpu.memory_space<vmem>>) offsets(%arg7 : memref<8xi32, #tpu.memory_space<vmem>>) semaphore(%arg9 : memref<!tpu.dma_semaphore, #tpu.memory_space<semaphore_mem>>)
    %dma_wait3A = arith.constant 0 : i32
    %dma_wait3A_5 = arith.constant 0 : i32
    %dma_wait3A_6 = tpu.memref_slice %arg2[%dma_wait3A, %dma_wait3A_5] : memref<200x15360xf32, #tpu.memory_space<hbm>> -> memref<200x15360xf32, #tpu.memory_space<hbm>>
    tpu.wait_indirect_dma semaphore(%arg9 : memref<!tpu.dma_semaphore, #tpu.memory_space<semaphore_mem>>) src(%dma_wait3A_6 : memref<200x15360xf32, #tpu.memory_space<hbm>>) dst(%arg8 : memref<8x15360xf32, #tpu.memory_space<vmem>>)
    "tpu.region"() ({
      %run_scoped3A = tpu.sem_alloc : memref<!tpu.dma_semaphore, #tpu.memory_space<semaphore_mem>>
      %dma_start3A_13 = arith.constant 0 : i32
      %dma_start3A_14 = tpu.memref_slice %arg5[%mul3A_2, %dma_start3A_13] : memref<256x15360xf32, #tpu.memory_space<hbm>> -> memref<8x15360xf32, #tpu.memory_space<hbm>>
      %dma_start3A_15 = arith.constant 0 : i32
      %dma_start3A_16 = tpu.memref_slice %arg5[%mul3A_2, %dma_start3A_15] : memref<256x15360xf32, #tpu.memory_space<hbm>> -> memref<8x15360xf32, #tpu.memory_space<hbm>>
      tpu.enqueue_dma source(%arg8 : memref<8x15360xf32, #tpu.memory_space<vmem>>) target(%dma_start3A_16 : memref<8x15360xf32, #tpu.memory_space<hbm>>) target_semaphore(%run_scoped3A : memref<!tpu.dma_semaphore, #tpu.memory_space<semaphore_mem>>)
      %dma_wait3A_17 = arith.constant 0 : i32
      %dma_wait3A_18 = tpu.memref_slice %arg5[%mul3A_2, %dma_wait3A_17] : memref<256x15360xf32, #tpu.memory_space<hbm>> -> memref<8x15360xf32, #tpu.memory_space<hbm>>
      %dma_wait3A_19 = arith.constant 0 : i32
      %dma_wait3A_20 = tpu.memref_slice %arg5[%mul3A_2, %dma_wait3A_19] : memref<256x15360xf32, #tpu.memory_space<hbm>> -> memref<8x15360xf32, #tpu.memory_space<hbm>>
      tpu.wait_dma2 semaphore(%run_scoped3A : memref<!tpu.dma_semaphore, #tpu.memory_space<semaphore_mem>>) src(%arg8 : memref<8x15360xf32, #tpu.memory_space<vmem>>) dst(%dma_wait3A_20 : memref<8x15360xf32, #tpu.memory_space<hbm>>)
      tpu.yield
    }) : () -> ()
    "tpu.region"() ({
      %run_scoped3A = tpu.sem_alloc : memref<!tpu.dma_semaphore, #tpu.memory_space<semaphore_mem>>
      %dma_start3A_13 = tpu.memref_slice %arg4[%mul3A_2] : memref<256xi32, #tpu.memory_space<hbm>> -> memref<8xi32, #tpu.memory_space<hbm>>
      %dma_start3A_14 = tpu.memref_slice %arg4[%mul3A_2] : memref<256xi32, #tpu.memory_space<hbm>> -> memref<8xi32, #tpu.memory_space<hbm>>
      tpu.enqueue_dma source(%dma_start3A_14 : memref<8xi32, #tpu.memory_space<hbm>>) target(%arg7 : memref<8xi32, #tpu.memory_space<vmem>>) target_semaphore(%run_scoped3A : memref<!tpu.dma_semaphore, #tpu.memory_space<semaphore_mem>>)
      %dma_wait3A_15 = tpu.memref_slice %arg4[%mul3A_2] : memref<256xi32, #tpu.memory_space<hbm>> -> memref<8xi32, #tpu.memory_space<hbm>>
      %dma_wait3A_16 = tpu.memref_slice %arg4[%mul3A_2] : memref<256xi32, #tpu.memory_space<hbm>> -> memref<8xi32, #tpu.memory_space<hbm>>
      tpu.wait_dma2 semaphore(%run_scoped3A : memref<!tpu.dma_semaphore, #tpu.memory_space<semaphore_mem>>) src(%dma_wait3A_16 : memref<8xi32, #tpu.memory_space<hbm>>) dst(%arg7 : memref<8xi32, #tpu.memory_space<vmem>>)
      tpu.yield
    }) : () -> ()
    %dma_start3A_7 = arith.constant 0 : i32
    %dma_start3A_8 = arith.constant 0 : i32
    %dma_start3A_9 = tpu.memref_slice %arg2[%dma_start3A_7, %dma_start3A_8] : memref<200x15360xf32, #tpu.memory_space<hbm>> -> memref<200x15360xf32, #tpu.memory_space<hbm>>
    tpu.enqueue_indirect_dma source(%dma_start3A_9 : memref<200x15360xf32, #tpu.memory_space<hbm>>) target(%arg8 : memref<8x15360xf32, #tpu.memory_space<vmem>>) offsets(%arg7 : memref<8xi32, #tpu.memory_space<vmem>>) semaphore(%arg9 : memref<!tpu.dma_semaphore, #tpu.memory_space<semaphore_mem>>)
    %dma_wait3A_10 = arith.constant 0 : i32
    %dma_wait3A_11 = arith.constant 0 : i32
    %dma_wait3A_12 = tpu.memref_slice %arg2[%dma_wait3A_10, %dma_wait3A_11] : memref<200x15360xf32, #tpu.memory_space<hbm>> -> memref<200x15360xf32, #tpu.memory_space<hbm>>
    tpu.wait_indirect_dma semaphore(%arg9 : memref<!tpu.dma_semaphore, #tpu.memory_space<semaphore_mem>>) src(%dma_wait3A_12 : memref<200x15360xf32, #tpu.memory_space<hbm>>) dst(%arg8 : memref<8x15360xf32, #tpu.memory_space<vmem>>)
    "tpu.region"() ({
      %run_scoped3A = tpu.sem_alloc : memref<!tpu.dma_semaphore, #tpu.memory_space<semaphore_mem>>
      %dma_start3A_13 = arith.constant 0 : i32
      %dma_start3A_14 = tpu.memref_slice %arg6[%mul3A_2, %dma_start3A_13] : memref<256x15360xf32, #tpu.memory_space<hbm>> -> memref<8x15360xf32, #tpu.memory_space<hbm>>
      %dma_start3A_15 = arith.constant 0 : i32
      %dma_start3A_16 = tpu.memref_slice %arg6[%mul3A_2, %dma_start3A_15] : memref<256x15360xf32, #tpu.memory_space<hbm>> -> memref<8x15360xf32, #tpu.memory_space<hbm>>
      tpu.enqueue_dma source(%arg8 : memref<8x15360xf32, #tpu.memory_space<vmem>>) target(%dma_start3A_16 : memref<8x15360xf32, #tpu.memory_space<hbm>>) target_semaphore(%run_scoped3A : memref<!tpu.dma_semaphore, #tpu.memory_space<semaphore_mem>>)
      %dma_wait3A_17 = arith.constant 0 : i32
      %dma_wait3A_18 = tpu.memref_slice %arg6[%mul3A_2, %dma_wait3A_17] : memref<256x15360xf32, #tpu.memory_space<hbm>> -> memref<8x15360xf32, #tpu.memory_space<hbm>>
      %dma_wait3A_19 = arith.constant 0 : i32
      %dma_wait3A_20 = tpu.memref_slice %arg6[%mul3A_2, %dma_wait3A_19] : memref<256x15360xf32, #tpu.memory_space<hbm>> -> memref<8x15360xf32, #tpu.memory_space<hbm>>
      tpu.wait_dma2 semaphore(%run_scoped3A : memref<!tpu.dma_semaphore, #tpu.memory_space<semaphore_mem>>) src(%arg8 : memref<8x15360xf32, #tpu.memory_space<vmem>>) dst(%dma_wait3A_20 : memref<8x15360xf32, #tpu.memory_space<hbm>>)
      tpu.yield
    }) : () -> ()
    return
  }
}

module attributes {stable_mosaic.version = 14 : i64} {
  func.func @_route_body(%arg0: memref<256x768xf32, #tpu.memory_space<vmem>>, %arg1: memref<100x768xf32, #tpu.memory_space<vmem>>, %arg2: memref<256xi32, #tpu.memory_space<vmem>>, %arg3: memref<256xi32, #tpu.memory_space<vmem>>) attributes {dimension_semantics = [], scalar_prefetch = 0 : i64, scratch_operands = 0 : i64, tpu.core_type = #tpu.core_type<tc>} {
    %get3A = arith.constant 0 : index
    %get3A_0 = arith.constant 0 : index
    %get3A_1 = vector.load %arg1[%get3A, %get3A_0] : memref<100x768xf32, #tpu.memory_space<vmem>>, vector<100x768xf32>
    %mul3A = arith.mulf %get3A_1, %get3A_1 : vector<100x768xf32>
    %reduce_sum3A = arith.constant dense<0.000000e+00> : vector<100xf32>
    %reduce_sum3A_2 = vector.multi_reduction <add>, %mul3A, %reduce_sum3A [1] : vector<100x768xf32> to vector<100xf32>
    %broadcast_in_dim3A = vector.shape_cast %reduce_sum3A_2 : vector<100xf32> to vector<100x1xf32>
    %sqrt3A = math.sqrt %broadcast_in_dim3A : vector<100x1xf32>
    %max3A = arith.constant 9.99999996E-13 : f32
    %max3A_3 = vector.broadcast %max3A : f32 to vector<100x1xf32>
    %max3A_4 = arith.maximumf %sqrt3A, %max3A_3 : vector<100x1xf32>
    %div3A = vector.broadcast %max3A_4 : vector<100x1xf32> to vector<100x768xf32>
    %div3A_5 = arith.divf %get3A_1, %div3A : vector<100x768xf32>
    %get3A_6 = arith.constant 0 : index
    %get3A_7 = arith.constant 0 : index
    %get3A_8 = vector.load %arg0[%get3A_6, %get3A_7] : memref<256x768xf32, #tpu.memory_space<vmem>>, vector<256x768xf32>
    %dot_general3A = arith.constant dense<0.000000e+00> : vector<256x100xf32>
    %dot_general3A_9 = tpu.matmul %get3A_8, %div3A_5, %dot_general3A {dimension_numbers = #tpu.dot_dimension_numbers<[1], [1], [0], [0], [0, 0, 1, 0], [], []>, transpose_lhs_hint = false} : vector<256x768xf32>, vector<100x768xf32>, vector<256x100xf32> -> vector<256x100xf32>
    %reduce_max3A = arith.constant dense<0xFF800000> : vector<256xf32>
    %reduce_max3A_10 = vector.multi_reduction <maximumf>, %dot_general3A_9, %reduce_max3A [1] : vector<256x100xf32> to vector<256xf32>
    %broadcast_in_dim3A_11 = vector.shape_cast %reduce_max3A_10 : vector<256xf32> to vector<256x1xf32>
    %iota3A = tpu.iota {dimensions = array<i32: 1>} : vector<256x100xi32>
    %ge3A = vector.broadcast %broadcast_in_dim3A_11 : vector<256x1xf32> to vector<256x100xf32>
    %ge3A_12 = arith.cmpf oge, %dot_general3A_9, %ge3A : vector<256x100xf32>
    %jit3A = arith.constant 1073741824 : i32
    %broadcast_in_dim3A_13 = vector.broadcast %jit3A : i32 to vector<256x100xi32>
    %select_n3A = arith.select %ge3A_12, %iota3A, %broadcast_in_dim3A_13 : vector<256x100xi1>, vector<256x100xi32>
    %reduce_min3A = arith.constant dense<2147483647> : vector<256xi32>
    %reduce_min3A_14 = vector.multi_reduction <minsi>, %select_n3A, %reduce_min3A [1] : vector<256x100xi32> to vector<256xi32>
    %mul3A_15 = arith.constant 2 : i32
    %mul3A_16 = vector.broadcast %mul3A_15 : i32 to vector<256xi32>
    %mul3A_17 = arith.muli %mul3A_16, %reduce_min3A_14 : vector<256xi32>
    %swap3A = arith.constant 0 : index
    %swap3A_18 = vector.load %arg2[%swap3A] : memref<256xi32, #tpu.memory_space<vmem>>, vector<256xi32>
    tpu.vector_store %arg2[%swap3A], %mul3A_17 {strides = array<i32>} : memref<256xi32, #tpu.memory_space<vmem>>, vector<256xi32>,
    %mul3A_19 = arith.constant 2 : i32
    %mul3A_20 = vector.broadcast %mul3A_19 : i32 to vector<256xi32>
    %mul3A_21 = arith.muli %mul3A_20, %reduce_min3A_14 : vector<256xi32>
    %add3A = arith.constant 1 : i32
    %add3A_22 = vector.broadcast %add3A : i32 to vector<256xi32>
    %add3A_23 = arith.addi %mul3A_21, %add3A_22 : vector<256xi32>
    %swap3A_24 = arith.constant 0 : index
    %swap3A_25 = vector.load %arg3[%swap3A_24] : memref<256xi32, #tpu.memory_space<vmem>>, vector<256xi32>
    tpu.vector_store %arg3[%swap3A_24], %add3A_23 {strides = array<i32>} : memref<256xi32, #tpu.memory_space<vmem>>, vector<256xi32>,
    return
  }
}

</mosaic_0001>

<sc_bundles>
// kernel: kernel.4.cloned.1.call-start
scs
__scs_entry_jumppad:
0x0: {  	(pc) =	sbr.rel $0x88, $3  }
0x1: {  	(tag) =	ssettag $0x0;
	lr =	simm.s32 $0x1  }
0x2: {  	[smem:$0x3F9D] =	sst lr;
	_ =	strace $0xD0000000  }
0x3: {  	_ = 	snop  }
0x4: {  	_ = 	snop  }
0x5: {  	_ = 	snop  }
0x6: {  	_ = 	snop  }
0x7: {  	_ = 	snop  }
__scs_overlays_trampoline_lowered:
0x8: {  	[smem:$0x3FAC] =	sst s0  }
0x9: {  	[smem:$0x3FAD] =	sst s1  }
0xa: {  	[smem:$0x3FAE] =	sst s2  }
0xb: {  	[smem:$0x3FAF] =	sst s3  }
0xc: {  	[smem:$0x3FB0] =	sst s4  }
0xd: {  	[smem:$0x3FB1] =	sst s5  }
0xe: {  	[smem:$0x3FB2] =	sst s6  }
0xf: {  	[smem:$0x3FB3] =	sst s7  }
0x10: {  	[smem:$0x3FB4] =	sst s8  }
0x11: {  	[smem:$0x3FB5] =	sst s9;
	s0 =	simm.s32 @!p0 $0x0  }
0x12: {  	s1 =	sld [smem:$0x3F9B];
	s0 =	simm.s32 @p0 $0x1  }
0x13: {  	[smem:$0x3FB6] =	sst s0;
	s0 =	simm.s32 @!p1 $0x0  }
0x14: {  	s2 =	sld [smem:$0x3F9A];
	s0 =	simm.s32 @p1 $0x1  }
0x15: {  	[smem:$0x3FB7] =	sst s0;
	s0 =	simm.s32 @!p2 $0x0  }
0x16: {  	s3 =	sld [smem:$0x3FDB];
	s0 =	simm.s32 @p2 $0x1  }
0x17: {  	s4 =	simm.s32 $0x1BF5;
	[smem:$0x3FB9] =	sst s0  }
0x18: {  	s0 =	sld [smem:$0x3F9C];
	_ =	swait.ge [sflag:s4], $0x0  }
0x19: {  	s7 =	sld [smem:$0x3F9D]  }
0x1a: {  	s8 =	sadd.s32 $0xFFFFE003, lr  }
0x1b: {  	s9 =	sadd.s32 $0xFFFFFEF7, lr;
	s5 =	simm.s32 $0xFFFFFFFF;
	p2 =	slt.u32 s8, $0xFFFFF086  }
0x1c: {  	p1 =	slt.u32 s9, $0xF7A;
	s5 =	simm.s32 @!p2 $0x0  }
0x1d: {  	s5 =	simm.s32 @p1 $0x1;
	p0 =	seq.s32 s7, s2  }
0x1e: {  	s7 =	smul.u32 @!p0 $0xF7A, s2;
	p2 =	seq.s32 @!p0 s5, $0x0  }
0x1f: {  	s9 =	smul.u32 $0xF7A, s1;
	s8 =	simm.s32 @!p0 $0x1BF5;
	p2 =	por !p2, p0  }
0x20: {  	[sflag:s8] =	ssyncset.s32 @!p0 $0xFFFFF086;
	s6 =	sadd.s32 @!p0 s3, s7;
	s7 =	simm.s32 @!p0 $0x108  }
0x21: {  	s3 =	sadd.s32 s3, s9;
	s6 =	sadd.s32 @!p0 $0x88, s6;
	s7 =	simm.s32 @p2 $0x1082  }
0x22: {  	[simem:s7], [sflag:s8] =	dma.local @!p0 [hbm:s6], $0xF7A  }
0x23: {  	s9 =	sor.u32 $0xD0000000, s2;
	s6 =	simm.s32 $0x108;
	_ =	swait.ge @!p0 [sflag:s8], $0x0  }
0x24: {  	s3 =	sadd.s32 $0x88, s3;
	s6 =	simm.s32 @!p1 $0x1082;
	[sflag:s4] =	ssyncset.s32 $0xFFFFF086  }
0x25: {  	[simem:s6], [sflag:s4] =	dma.local [hbm:s3], $0xF7A  }
0x26: {  	[smem:$0x3F9D] =	sst s1;
	(tag) =	ssettag s2;
	_ =	strace s9  }
0x27: {  	s1 =	sld [smem:$0x3FAD]  }
0x28: {  	s2 =	sld [smem:$0x3FAE]  }
0x29: {  	s4 =	sld [smem:$0x3FB0]  }
0x2a: {  	p0 =	seq.s32 s5, $0x0;
	s5 =	sld [smem:$0x3FB1]  }
0x2b: {  	s6 =	sld [smem:$0x3FB2]  }
0x2c: {  	s7 =	sld [smem:$0x3FB3]  }
0x2d: {  	s3 =	simm.s32 $0x108;
	s8 =	sld [smem:$0x3FB4]  }
0x2e: {  	s3 =	simm.s32 @!p0 $0x1082;
	s9 =	sld [smem:$0x3FB5]  }
0x2f: {  	lr =	sadd.s32 s0, s3;
	s0 =	sld [smem:$0x3FAC]  }
0x30: {  	s3 =	sld [smem:$0x3FAF]  }
0x31: {  	[smem:$0x3FB8] =	sst s10  }
0x32: {  	s10 =	sld [smem:$0x3FB6];
	_ =	sdelay $0x3  }
0x33: {  	p0 =	seq.s32 s10, $0x1;
	s10 =	sld [smem:$0x3FB8];
	_ =	sdelay $0x3  }
0x34: {  	[smem:$0x3FB8] =	sst s10  }
0x35: {  	s10 =	sld [smem:$0x3FB7];
	_ =	sdelay $0x3  }
0x36: {  	p1 =	seq.s32 s10, $0x1;
	s10 =	sld [smem:$0x3FB8];
	_ =	sdelay $0x3  }
0x37: {  	[smem:$0x3FB8] =	sst s10  }
0x38: {  	s10 =	sld [smem:$0x3FB9]  }
0x39: {  	_ = 	snop;
	(pc) =	sbr.ind lr, $3  }
0x3a: {  	_ = 	snop  }
0x3b: {  	_ = 	snop  }
0x3c: {  	p2 =	seq.s32 s10, $0x1;
	s10 =	sld [smem:$0x3FB8]  }
0x3d: {  	_ =	shalt  }
0x3e: {  	_ =	shalt  }
0x3f: {  	_ =	shalt  }
0x40: {  	_ =	shalt  }
0x41: {  	_ =	shalt  }
0x42: {  	_ =	shalt  }
0x43: {  	_ =	shalt  }
0x44: {  	_ =	shalt  }
0x45: {  	_ =	shalt  }
0x46: {  	_ =	shalt  }
0x47: {  	_ =	shalt  }
0x48: {  	_ =	shalt  }
0x49: {  	_ =	shalt  }
0x4a: {  	_ =	shalt  }
0x4b: {  	_ =	shalt  }
0x4c: {  	_ =	shalt  }
0x4d: {  	_ =	shalt  }
0x4e: {  	_ =	shalt  }
0x4f: {  	_ =	shalt  }
0x50: {  	_ =	shalt  }
0x51: {  	_ =	shalt  }
0x52: {  	_ =	shalt  }
0x53: {  	_ =	shalt  }
0x54: {  	_ =	shalt  }
0x55: {  	_ =	shalt  }
0x56: {  	_ =	shalt  }
0x57: {  	_ =	shalt  }
0x58: {  	_ =	shalt  }
0x59: {  	_ =	shalt  }
0x5a: {  	_ =	shalt  }
0x5b: {  	_ =	shalt  }
0x5c: {  	_ =	shalt  }
0x5d: {  	_ =	shalt  }
0x5e: {  	_ =	shalt  }
0x5f: {  	_ =	shalt  }
0x60: {  	_ =	shalt  }
0x61: {  	_ =	shalt  }
0x62: {  	_ =	shalt  }
0x63: {  	_ =	shalt  }
0x64: {  	_ =	shalt  }
0x65: {  	_ =	shalt  }
0x66: {  	_ =	shalt  }
0x67: {  	_ =	shalt  }
0x68: {  	_ =	shalt  }
0x69: {  	_ =	shalt  }
0x6a: {  	_ =	shalt  }
0x6b: {  	_ =	shalt  }
0x6c: {  	_ =	shalt  }
0x6d: {  	_ =	shalt  }
0x6e: {  	_ =	shalt  }
0x6f: {  	_ =	shalt  }
0x70: {  	_ =	shalt  }
0x71: {  	_ =	shalt  }
0x72: {  	_ =	shalt  }
0x73: {  	_ =	shalt  }
0x74: {  	_ =	shalt  }
0x75: {  	_ =	shalt  }
0x76: {  	_ =	shalt  }
0x77: {  	_ =	shalt  }
0x78: {  	_ =	shalt  }
0x79: {  	_ =	shalt  }
0x7a: {  	_ =	shalt  }
0x7b: {  	_ =	shalt  }
0x7c: {  	_ =	shalt  }
0x7d: {  	_ =	shalt  }
0x7e: {  	_ =	shalt  }
0x7f: {  	_ =	shalt  }
0x80: {  	_ =	shalt  }
0x81: {  	_ =	shalt  }
0x82: {  	_ =	shalt  }
0x83: {  	_ =	shalt  }
0x84: {  	_ =	shalt  }
0x85: {  	_ =	shalt  }
0x86: {  	_ =	shalt  }
0x87: {  	_ =	shalt  }
.Lfunc_end0:
.L_simem_size_0:
called_computation_lowered:
.L_overlay_start_0:
0x88: {  	s2 =	sld [smem:$0x3FD9]  }
0x89: {  	s3 =	sld [smem:$0x3FFE];
	_ =	sdelay $0x1  }
0x8a: {  	s1 =	srdreg.scid  }
0x8b: {  	s0 =	sand.u32 $0x1, s1  }
0x8c: {  	s14 =	sshll.u32 s0, $0xA;
	s2 =	sadd.s32 s3, s2  }
0x8d: {  	s2 =	sadd.s32 s2, s14  }
0x8e: {  	[smem:$0x3FC4] =	sst s2  }
0x8f: {  	_ = 	snop  }
0x90: {  	s2 =	sld [smem:$0x3FD0];
	_ =	sdelay $0x2  }
0x91: {  	s15 =	simm.s32 $0xA;
	s4 =	simm.s32 $0x10  }
0x92: {  	[smem:s4], [sflag:s15] =	dma.local [hbm:s2], $0x1  }
0x93: {  	_ =	swait.eq [sflag:s15], $0x1  }
0x94: {  	s16 =	sld [smem:$0x10];
	[sflag:s15] =	ssyncset.done $0x0  }
0x95: {  	s17 =	sld [smem:$0x11];
	[sflag:s15] =	ssyncadd.s32 $0xFFFFFFFF  }
0x96: {  	s18 =	sld [smem:$0x12];
	(tm) =	ssettm $0x1  }
0x97: {  	s5 =	sld [smem:$0x3FFB];
	_ =	sdelay $0x3  }
0x98: {  	_ =	strace s5  }
0x99: {  	s5 =	sld [smem:$0x3FFC];
	_ =	sdelay $0x3  }
0x9a: {  	_ =	strace s5  }
0x9b: {  	s5 =	sld [smem:$0x3FFD];
	_ =	sdelay $0x3  }
0x9c: {  	_ =	strace s5  }
0x9d: {  	_ =	strace $0x8FFFFFFF  }
0x9e: {  	s19 =	sld [smem:$0x3FDB];
	_ =	sdelay $0x1  }
0x9f: {  	s6 =	simm.s32 $_scs_section_size  }
0xa0: {  	s7 =	simm.s32 $_size__tile_overlayer_lowered;
	s8 =	simm.s32 $_tile_overlayer_lowered  }
0xa1: {  	s22 =	simm.s32 $0x1BFF;
	s21 =	sshll.u32 s8, $0x1;
	s5 =	sadd.s32 s6, s19  }
0xa2: {  	s9 =	simm.s32 $0x0;
	s20 =	sshll.u32 s7, $0x1;
	s7 =	sadd.s32 s21, s5  }
0xa3: {  	[timem:s9], [sflag:s22] =	dma.local [hbm:s7], s20  }
0xa4: {  	_ =	swait.ge [sflag:s22], s20  }
0xa5: {  	s6 =	ssub.s32 $0x0, s20;
	[sflag:s22] =	ssyncset.done $0x0  }
0xa6: {  	[sflag:s22] =	ssyncadd.s32 s6;
	_ =	sdelay $0x1  }
0xa7: {  	s23 =	simm.s32 $0x1B8B  }
0xa8: {  	_ =	swait.ge [sflag:s23], $0x1  }
0xa9: {  	[sflag:s23] =	ssyncset.done $0x0  }
0xaa: {  	s25 =	simm.s32 $0x1B8E;
	s24 =	sld [smem:$0x3FFE];
	[sflag:s23] =	ssyncadd.s32 $0xFFFFFFFF  }
0xab: {  	s26 =	simm.s32 $execute0_lowered;
	[smem:$0x3FD2] =	sst s25  }
0xac: {  	s7 =	sshll.u32 s26, $0x1;
	_ =	strace $0x80000046;
	[dreg:$0x1] =	wrdreg $0xFFFFFFFF  }
0xad: {  	s28 =	simm.s32 $_size_execute0_lowered;
	s5 =	sadd.s32 s5, s7;
	[dreg:$0x0] =	wrdreg $0x0  }
0xae: {  	s7 =	sshll.u32 s28, $0x1;
	[dreg:$0x2] =	wrdreg s5  }
0xaf: {  	[dreg:$0x3] =	wrdreg s7  }
0xb0: {  	[dreg:$0x4] =	wrdreg $0xC0  }
0xb1: {  	_ =	task [dreg:s9], $0x5FFFF  }
0xb2: {  	[dreg:$0x1] =	wrdreg $0xFFFFFFFF  }
0xb3: {  	[dreg:$0x0] =	wrdreg $0x60  }
0xb4: {  	[dreg:$0x2] =	wrdreg s16  }
0xb5: {  	[dreg:$0x3] =	wrdreg s24  }
0xb6: {  	[dreg:$0x4] =	wrdreg s17  }
0xb7: {  	[dreg:$0x5] =	wrdreg s18  }
0xb8: {  	[dreg:$0x6] =	wrdreg $0x9  }
0xb9: {  	_ =	task.clear_ibuf [dreg:s9], $0x7FFFF;
	_ =	strace $0x90000046  }
0xba: {  	s29 =	simm.s32 $0x9;
	_ =	strace $0x80000048  }
0xbb: {  	_ =	swait.ge [sflag:s29], $0x1  }
0xbc: {  	[sflag:s29] =	ssyncadd.s32 $0xFFFFFFFF  }
0xbd: {  	_ =	strace $0x90000048  }
0xbe: {  	_ =	sfence  }
0xbf: {  	s30 =	sld [smem:$0x0];
	_ =	sdelay $0x2  }
0xc0: {  	s31 =	sshll.u32 s1, $0xD;
	s1 =	sshrl.u32 s1, $0x2  }
0xc1: {  	s3 =	sand.u32 $0x4000, s31;
	s1 =	sadd.s32 s1, s30  }
0xc2: {  	s0 =	sor.u32 s3, s0;
	s1 =	sshll.u32 s1, $0x11  }
0xc3: {  	s0 =	sor.u32 s1, s0  }
0xc4: {  	s0 =	sadd.s32 $0x8F2B, s0  }
0xc5: {  	[sflag:s0] =	ssyncadd.remote.s32 $0x1  }
0xc6: {  	_ =	sfence.sel $0xFFFF  }
0xc7: {  	[dreg:$0x0] =	wrdreg $0xFFFFFFFF;
	(pc) =	sbr.abs _section_cstart, $3  }
0xc8: {  	[dreg:$0x1] =	wrdreg $0xFFFFFFFF  }
0xc9: {  	_ =	task.clear_ibuf [dreg:s9], $0x2FFFF;
	_ =	strace $0x9FFFFFFF  }
0xca: {  	(tm) =	ssettm $0x7FFFFFFF  }
0xcb: {  	_ =	shalt  }
tec
execute0_lowered:
.L_overlay_start_1:
0x0: {  	(tag) =	ssettag $0x1  }
0x1: {  	s8 =	rddreg [dreg:$0x0]  }
0x2: {  	s0 =	rddreg [dreg:$0x1]  }
0x3: {  	s1 =	rddreg [dreg:$0x2];
	s3 =	stileid.u32  }
0x4: {  	s4 =	rddreg [dreg:$0x3];
	s5 =	sshll.u32 s3, $0x1;
	s3 =	simm.s32 $0x0  }
0x5: {  	s21 =	sadd.s32 $0x100, s8;
	[smem:$0x7FF] =	sst s3  }
0x6: {  	s22 =	sadd.s32 $0x200, s8;
	_ =	strace $0x80000047;
	[dreg:$0x9] =	wrdreg s21  }
0x7: {  	s23 =	sadd.s32 $0x300, s8;
	[dreg:$0xa] =	wrdreg s22  }
0x8: {  	s24 =	sadd.s32 $0x400, s8;
	[dreg:$0xb] =	wrdreg s23  }
0x9: {  	s25 =	sadd.s32 $0x500, s8;
	[dreg:$0xc] =	wrdreg s24  }
0xa: {  	s26 =	sadd.s32 $0x600, s8;
	[dreg:$0xd] =	wrdreg s25  }
0xb: {  	s28 =	sadd.s32 $0x700, s8;
	[dreg:$0xe] =	wrdreg s26  }
0xc: {  	s29 =	sadd.s32 $0x800, s8;
	[dreg:$0xf] =	wrdreg s28  }
0xd: {  	s30 =	sadd.s32 $0x900, s8;
	[dreg:$0x10] =	wrdreg s29  }
0xe: {  	s31 =	sadd.s32 $0xA00, s8;
	[dreg:$0x11] =	wrdreg s30  }
0xf: {  	s9 =	sadd.s32 $0xC00, s8;
	[dreg:$0x12] =	wrdreg s31  }
0x10: {  	s10 =	sadd.s32 $0xD00, s8;
	[dreg:$0x14] =	wrdreg s9  }
0x11: {  	s11 =	sadd.s32 $0xE00, s8;
	[dreg:$0x15] =	wrdreg s10  }
0x12: {  	s12 =	sadd.s32 $0xF00, s8;
	[dreg:$0x16] =	wrdreg s11  }
0x13: {  	s13 =	sadd.s32 $0x1000, s8;
	[dreg:$0x17] =	wrdreg s12  }
0x14: {  	s14 =	sadd.s32 $0x1100, s8;
	[dreg:$0x18] =	wrdreg s13  }
0x15: {  	s15 =	sadd.s32 $0x1200, s8;
	[dreg:$0x19] =	wrdreg s14  }
0x16: {  	s17 =	sadd.s32 $0x1300, s8;
	[dreg:$0x1a] =	wrdreg s15  }
0x17: {  	s18 =	sadd.s32 $0x1400, s8;
	[dreg:$0x1b] =	wrdreg s17  }
0x18: {  	s19 =	sadd.s32 $0x1500, s8;
	[dreg:$0x1c] =	wrdreg s18  }
0x19: {  	s20 =	sadd.s32 $0x1600, s8;
	[dreg:$0x1d] =	wrdreg s19  }
0x1a: {  	[dreg:$0x1e] =	wrdreg s20;
	s21 =	sadd.s32 $0x1700, s8  }
0x1b: {  	s22 =	sadd.s32 $0x1800, s8;
	[dreg:$0x1f] =	wrdreg s21  }
0x1c: {  	s23 =	sadd.s32 $0x1900, s8;
	[smem:$0x7DA] =	sst s22  }
0x1d: {  	s24 =	sadd.s32 $0x1A00, s8;
	[smem:$0x7DB] =	sst s23  }
0x1e: {  	s25 =	sadd.s32 $0x1B00, s8;
	[smem:$0x7DC] =	sst s24  }
0x1f: {  	s26 =	sadd.s32 $0x1C00, s8;
	[smem:$0x7DD] =	sst s25  }
0x20: {  	s28 =	sadd.s32 $0x1D00, s8;
	[smem:$0x7DE] =	sst s26  }
0x21: {  	s29 =	sadd.s32 $0x1E00, s8;
	[smem:$0x7DF] =	sst s28  }
0x22: {  	s30 =	sadd.s32 $0x1F00, s8;
	[smem:$0x7E0] =	sst s29  }
0x23: {  	s31 =	sadd.s32 $0x2000, s8;
	[smem:$0x7E1] =	sst s30  }
0x24: {  	s9 =	sadd.s32 $0x2600, s8;
	[smem:$0x7E2] =	sst s31  }
0x25: {  	s10 =	sadd.s32 $0x2700, s8;
	[smem:$0x7E8] =	sst s9  }
0x26: {  	s11 =	sadd.s32 $0x2800, s8;
	[smem:$0x7E9] =	sst s10  }
0x27: {  	s12 =	sadd.s32 $0x2900, s8;
	[smem:$0x7EA] =	sst s11  }
0x28: {  	s13 =	sadd.s32 $0x2A00, s8;
	[smem:$0x7EB] =	sst s12  }
0x29: {  	s14 =	sadd.s32 $0x2B00, s8;
	[smem:$0x7EC] =	sst s13  }
0x2a: {  	s15 =	sadd.s32 $0x2C00, s8;
	[smem:$0x7ED] =	sst s14  }
0x2b: {  	s2 =	srdreg.scid;
	s17 =	sadd.s32 $0x2E00, s8;
	[smem:$0x7EE] =	sst s15  }
0x2c: {  	s2 =	sand.u32 $0x1, s2;
	s18 =	sadd.s32 $0x2F00, s8;
	[smem:$0x7F0] =	sst s17  }
0x2d: {  	s5 =	sor.u32 s2, s5;
	s19 =	sadd.s32 $0x3000, s8;
	[smem:$0x7F1] =	sst s18  }
0x2e: {  	s0 =	sadd.s32 s5, s0;
	s20 =	sadd.s32 $0x3100, s8;
	[smem:$0x7F2] =	sst s19  }
0x2f: {  	s2 =	ssub.s32 $0x2, s2;
	s7 =	sadd.s32 $0x2200, s0;
	[smem:$0x7F3] =	sst s20  }
0x30: {  	s6 =	sshrl.u32 s2, $0x1;
	s0 =	sadd.s32 $0x2400, s0;
	[dreg:$0x5] =	wrdreg s7  }
0x31: {  	s2 =	ssub.s32 s2, s6;
	s6 =	sadd.s32 $0x2400, s8;
	[dreg:$0x7] =	wrdreg s0  }
0x32: {  	s21 =	sadd.s32 $0x3200, s8;
	[smem:$0x7E6] =	sst s6  }
0x33: {  	s22 =	sadd.s32 $0x3300, s8;
	[smem:$0x7F4] =	sst s21  }
0x34: {  	s23 =	sadd.s32 $0x3400, s8;
	[smem:$0x7F5] =	sst s22  }
0x35: {  	s24 =	sadd.s32 $0x3500, s8;
	[smem:$0x7F6] =	sst s23  }
0x36: {  	s25 =	sadd.s32 $0x3600, s8;
	[smem:$0x7F7] =	sst s24  }
0x37: {  	s26 =	sadd.s32 $0x3700, s8;
	[smem:$0x7F8] =	sst s25  }
0x38: {  	s28 =	sadd.s32 $0x3800, s8;
	[smem:$0x7F9] =	sst s26  }
0x39: {  	s29 =	sadd.s32 $0x3900, s8;
	[smem:$0x7FA] =	sst s28  }
0x3a: {  	s30 =	sadd.s32 $0x3A00, s8;
	[smem:$0x7FB] =	sst s29  }
0x3b: {  	s5 =	smul.u32 $0x3C00, s5;
	s31 =	sadd.s32 $0x3B00, s8;
	[smem:$0x7FC] =	sst s30  }
0x3c: {  	s7 =	sadd.s32 $0xB00, s8;
	[smem:$0x7FD] =	sst s31  }
0x3d: {  	s1 =	sadd.s32 s1, s5;
	[dreg:$0x13] =	wrdreg s7  }
0x3e: {  	s16 =	sadd.s32 s4, s5;
	[dreg:$0x6] =	wrdreg s1  }
0x3f: {  	s4 =	sadd.s32 $0x2200, s8;
	[dreg:$0x8] =	wrdreg s16  }
0x40: {  	s5 =	sadd.s32 $0x2300, s8;
	[smem:$0x7E4] =	sst s4  }
0x41: {  	s1 =	smax.u32 s2, $0x1;
	s2 =	sadd.s32 $0x2100, s8;
	[smem:$0x7E5] =	sst s5  }
0x42: {  	v0 =	vlaneseq.u32;
	s7 =	sadd.s32 $0x2500, s8;
	[smem:$0x7E3] =	sst s2  }
0x43: {  	v1 =	vshrl.u32 v0, $0x3;
	s16 =	sadd.s32 $0x2D00, s8;
	[smem:$0x7E7] =	sst s7  }
0x44: {  	vm0 =	vmmov $0xffff;
	v0 =	vand.u32 $0x7, v0;
	v1 =	vmul.u32 $0x8, v1;
	s0 =	simm.s32 $0x2;
	[smem:$0x7EF] =	sst s16  }
.LBB2_1:
0x45: {  	[smem:$0x7D9] =	sst s1  }
0x46: {  	s8 =	rddreg [dreg:$0x5]  }
0x47: {  	[tilespmem:s3], [sflag:$0x2] =	stream.linear.gather [hbm4b:s8+s3], $0x8, $0x38;
	[tilespmem:$0x1E080] =	vst v63  }
0x48: {  	_ =	swait.ge [sflag:s0], $0x8  }
0x49: {  	[sflag:s0] =	ssyncset.done $0x0  }
0x4a: {  	[sflag:s0] =	ssyncadd.s32 $0xFFFFFFF8  }
0x4b: {  	v2 =	vld.msk [tilespmem:$0x0], $0xff;
	_ =	sdelay $0x4  }
0x4c: {  	v3 =	vshrl.u32 v2, $0x3  }
0x4d: {  	v3 =	vmul.u32 $0x3C0, v3  }
0x4e: {  	v2 =	vand.u32 $0x7, v2  }
0x4f: {  	v2 =	vor.u32 v2, v3  }
0x50: {  	v2 =	vperm.xlane v2, v0;
	_ =	sdelay $0x1  }
0x51: {  	v2 =	vadd.s32 v1, v2;
	_ =	sdelay $0x2  }
0x52: {  	s10 =	rddreg [dreg:$0x9]  }
0x53: {  	s17 =	simm.s32 $0x80;
	s9 =	rddreg [dreg:$0x0]  }
0x54: {  	[tilespmem:s17], [sflag:$0x1] =	stream.indirect_vreg.gather [hbm4b:s9+s3], $0x80, v2, vm0, $0xb8;
	[tilespmem:$0x1E080] =	vst v63  }
0x55: {  	s18 =	simm.s32 $0x880;
	s11 =	rddreg [dreg:$0xa]  }
0x56: {  	[tilespmem:s18], [sflag:$0x1] =	stream.indirect_vreg.gather [hbm4b:s10+s3], $0x80, v2, vm0, $0xb8;
	[tilespmem:$0x1E080] =	vst v63  }
0x57: {  	s19 =	simm.s32 $0x1080;
	s12 =	rddreg [dreg:$0xb]  }
0x58: {  	[tilespmem:s19], [sflag:$0x1] =	stream.indirect_vreg.gather [hbm4b:s11+s3], $0x80, v2, vm0, $0xb8;
	[tilespmem:$0x1E080] =	vst v63  }
0x59: {  	s20 =	simm.s32 $0x1880;
	s13 =	rddreg [dreg:$0xc]  }
0x5a: {  	[tilespmem:s20], [sflag:$0x1] =	stream.indirect_vreg.gather [hbm4b:s12+s3], $0x80, v2, vm0, $0xb8;
	[tilespmem:$0x1E080] =	vst v63  }
0x5b: {  	s21 =	simm.s32 $0x2080;
	s14 =	rddreg [dreg:$0xd]  }
0x5c: {  	[tilespmem:s21], [sflag:$0x1] =	stream.indirect_vreg.gather [hbm4b:s13+s3], $0x80, v2, vm0, $0xb8;
	[tilespmem:$0x1E080] =	vst v63  }
0x5d: {  	s22 =	simm.s32 $0x2880;
	s15 =	rddreg [dreg:$0xe]  }
0x5e: {  	[tilespmem:s22], [sflag:$0x1] =	stream.indirect_vreg.gather [hbm4b:s14+s3], $0x80, v2, vm0, $0xb8;
	[tilespmem:$0x1E080] =	vst v63  }
0x5f: {  	s23 =	simm.s32 $0x3080;
	s16 =	rddreg [dreg:$0xf]  }
0x60: {  	[tilespmem:s23], [sflag:$0x1] =	stream.indirect_vreg.gather [hbm4b:s15+s3], $0x80, v2, vm0, $0xb8;
	[tilespmem:$0x1E080] =	vst v63  }
0x61: {  	s24 =	simm.s32 $0x3880;
	s17 =	rddreg [dreg:$0x10]  }
0x62: {  	[tilespmem:s24], [sflag:$0x1] =	stream.indirect_vreg.gather [hbm4b:s16+s3], $0x80, v2, vm0, $0xb8;
	[tilespmem:$0x1E080] =	vst v63  }
0x63: {  	s25 =	simm.s32 $0x4080;
	s18 =	rddreg [dreg:$0x11]  }
0x64: {  	[tilespmem:s25], [sflag:$0x1] =	stream.indirect_vreg.gather [hbm4b:s17+s3], $0x80, v2, vm0, $0xb8;
	[tilespmem:$0x1E080] =	vst v63  }
0x65: {  	s26 =	simm.s32 $0x4880;
	s19 =	rddreg [dreg:$0x12]  }
0x66: {  	[tilespmem:s26], [sflag:$0x1] =	stream.indirect_vreg.gather [hbm4b:s18+s3], $0x80, v2, vm0, $0xb8;
	[tilespmem:$0x1E080] =	vst v63  }
0x67: {  	s28 =	simm.s32 $0x5080;
	s20 =	rddreg [dreg:$0x13]  }
0x68: {  	[tilespmem:s28], [sflag:$0x1] =	stream.indirect_vreg.gather [hbm4b:s19+s3], $0x80, v2, vm0, $0xb8;
	[tilespmem:$0x1E080] =	vst v63  }
0x69: {  	s29 =	simm.s32 $0x5880;
	s21 =	rddreg [dreg:$0x14]  }
0x6a: {  	[tilespmem:s29], [sflag:$0x1] =	stream.indirect_vreg.gather [hbm4b:s20+s3], $0x80, v2, vm0, $0xb8;
	[tilespmem:$0x1E080] =	vst v63  }
0x6b: {  	s30 =	simm.s32 $0x6080;
	s22 =	rddreg [dreg:$0x15]  }
0x6c: {  	[tilespmem:s30], [sflag:$0x1] =	stream.indirect_vreg.gather [hbm4b:s21+s3], $0x80, v2, vm0, $0xb8;
	[tilespmem:$0x1E080] =	vst v63  }
0x6d: {  	s31 =	simm.s32 $0x6880;
	s23 =	rddreg [dreg:$0x16]  }
0x6e: {  	[tilespmem:s31], [sflag:$0x1] =	stream.indirect_vreg.gather [hbm4b:s22+s3], $0x80, v2, vm0, $0xb8;
	[tilespmem:$0x1E080] =	vst v63  }
0x6f: {  	s2 =	simm.s32 $0x7080;
	s24 =	rddreg [dreg:$0x17]  }
0x70: {  	[tilespmem:s2], [sflag:$0x1] =	stream.indirect_vreg.gather [hbm4b:s23+s3], $0x80, v2, vm0, $0xb8;
	[tilespmem:$0x1E080] =	vst v63  }
0x71: {  	s4 =	simm.s32 $0x7880;
	s25 =	rddreg [dreg:$0x1d]  }
0x72: {  	[tilespmem:s4], [sflag:$0x1] =	stream.indirect_vreg.gather [hbm4b:s24+s3], $0x80, v2, vm0, $0xb8;
	[tilespmem:$0x1E080] =	vst v63  }
0x73: {  	s5 =	simm.s32 $0x8080;
	s26 =	rddreg [dreg:$0x18]  }
0x74: {  	[tilespmem:s5], [sflag:$0x1] =	stream.indirect_vreg.gather [hbm4b:s26+s3], $0x80, v2, vm0, $0xb8;
	[tilespmem:$0x1E080] =	vst v63  }
0x75: {  	s6 =	simm.s32 $0x8880;
	s28 =	rddreg [dreg:$0x19]  }
0x76: {  	[tilespmem:s6], [sflag:$0x1] =	stream.indirect_vreg.gather [hbm4b:s28+s3], $0x80, v2, vm0, $0xb8;
	[tilespmem:$0x1E080] =	vst v63  }
0x77: {  	s7 =	simm.s32 $0x9080;
	s29 =	rddreg [dreg:$0x1a]  }
0x78: {  	[tilespmem:s7], [sflag:$0x1] =	stream.indirect_vreg.gather [hbm4b:s29+s3], $0x80, v2, vm0, $0xb8;
	[tilespmem:$0x1E080] =	vst v63  }
0x79: {  	s8 =	simm.s32 $0x9880;
	s30 =	rddreg [dreg:$0x1b]  }
0x7a: {  	[tilespmem:s8], [sflag:$0x1] =	stream.indirect_vreg.gather [hbm4b:s30+s3], $0x80, v2, vm0, $0xb8;
	[tilespmem:$0x1E080] =	vst v63  }
0x7b: {  	s9 =	simm.s32 $0xA080;
	s31 =	rddreg [dreg:$0x1c]  }
0x7c: {  	[tilespmem:s9], [sflag:$0x1] =	stream.indirect_vreg.gather [hbm4b:s31+s3], $0x80, v2, vm0, $0xb8;
	[tilespmem:$0x1E080] =	vst v63  }
0x7d: {  	s2 =	simm.s32 $0xA880;
	s5 =	rddreg [dreg:$0x1f]  }
0x7e: {  	[tilespmem:s2], [sflag:$0x1] =	stream.indirect_vreg.gather [hbm4b:s25+s3], $0x80, v2, vm0, $0xb8;
	[tilespmem:$0x1E080] =	vst v63  }
0x7f: {  	s4 =	simm.s32 $0xB080;
	s2 =	rddreg [dreg:$0x1e]  }
0x80: {  	[tilespmem:s4], [sflag:$0x1] =	stream.indirect_vreg.gather [hbm4b:s2+s3], $0x80, v2, vm0, $0xb8;
	[tilespmem:$0x1E080] =	vst v63  }
0x81: {  	s6 =	simm.s32 $0xB880;
	s4 =	sld [smem:$0x7DA]  }
0x82: {  	[tilespmem:s6], [sflag:$0x1] =	stream.indirect_vreg.gather [hbm4b:s5+s3], $0x80, v2, vm0, $0xb8;
	[tilespmem:$0x1E080] =	vst v63  }
0x83: {  	s7 =	simm.s32 $0xC080;
	s6 =	sld [smem:$0x7DB]  }
0x84: {  	[tilespmem:s7], [sflag:$0x1] =	stream.indirect_vreg.gather [hbm4b:s4+s3], $0x80, v2, vm0, $0xb8;
	[tilespmem:$0x1E080] =	vst v63  }
0x85: {  	s8 =	simm.s32 $0xC880;
	s7 =	sld [smem:$0x7DC]  }
0x86: {  	[tilespmem:s8], [sflag:$0x1] =	stream.indirect_vreg.gather [hbm4b:s6+s3], $0x80, v2, vm0, $0xb8;
	[tilespmem:$0x1E080] =	vst v63  }
0x87: {  	s9 =	simm.s32 $0xD080;
	s5 =	sld [smem:$0x7DD]  }
0x88: {  	[tilespmem:s9], [sflag:$0x1] =	stream.indirect_vreg.gather [hbm4b:s7+s3], $0x80, v2, vm0, $0xb8;
	[tilespmem:$0x1E080] =	vst v63  }
0x89: {  	s25 =	simm.s32 $0xD880;
	s9 =	sld [smem:$0x7DE]  }
0x8a: {  	[tilespmem:s25], [sflag:$0x1] =	stream.indirect_vreg.gather [hbm4b:s5+s3], $0x80, v2, vm0, $0xb8;
	[tilespmem:$0x1E080] =	vst v63  }
0x8b: {  	s2 =	simm.s32 $0xE080;
	s25 =	sld [smem:$0x7DF]  }
0x8c: {  	[tilespmem:s2], [sflag:$0x1] =	stream.indirect_vreg.gather [hbm4b:s9+s3], $0x80, v2, vm0, $0xb8;
	[tilespmem:$0x1E080] =	vst v63  }
0x8d: {  	s1 =	sld [smem:$0x7E0];
	s8 =	simm.s32 $0xE880  }
0x8e: {  	[tilespmem:s8], [sflag:$0x1] =	stream.indirect_vreg.gather [hbm4b:s25+s3], $0x80, v2, vm0, $0xb8;
	[tilespmem:$0x1E080] =	vst v63  }
0x8f: {  	s8 =	simm.s32 $0xF080  }
0x90: {  	[tilespmem:s8], [sflag:$0x1] =	stream.indirect_vreg.gather [hbm4b:s1+s3], $0x80, v2, vm0, $0xb8;
	[tilespmem:$0x1E080] =	vst v63  }
0x91: {  	s1 =	sld [smem:$0x7E1];
	_ =	sdelay $0x1  }
0x92: {  	s8 =	simm.s32 $0xF880  }
0x93: {  	[tilespmem:s8], [sflag:$0x1] =	stream.indirect_vreg.gather [hbm4b:s1+s3], $0x80, v2, vm0, $0xb8;
	[tilespmem:$0x1E080] =	vst v63  }
0x94: {  	s1 =	sld [smem:$0x7E2];
	_ =	sdelay $0x1  }
0x95: {  	s8 =	simm.s32 $0x10080  }
0x96: {  	[tilespmem:s8], [sflag:$0x1] =	stream.indirect_vreg.gather [hbm4b:s1+s3], $0x80, v2, vm0, $0xb8;
	[tilespmem:$0x1E080] =	vst v63  }
0x97: {  	s1 =	sld [smem:$0x7E3];
	_ =	sdelay $0x1  }
0x98: {  	s8 =	simm.s32 $0x10880  }
0x99: {  	[tilespmem:s8], [sflag:$0x1] =	stream.indirect_vreg.gather [hbm4b:s1+s3], $0x80, v2, vm0, $0xb8;
	[tilespmem:$0x1E080] =	vst v63  }
0x9a: {  	s1 =	sld [smem:$0x7E4];
	_ =	sdelay $0x1  }
0x9b: {  	s8 =	simm.s32 $0x11080  }
0x9c: {  	[tilespmem:s8], [sflag:$0x1] =	stream.indirect_vreg.gather [hbm4b:s1+s3], $0x80, v2, vm0, $0xb8;
	[tilespmem:$0x1E080] =	vst v63  }
0x9d: {  	s1 =	sld [smem:$0x7E5];
	_ =	sdelay $0x1  }
0x9e: {  	s8 =	simm.s32 $0x11880  }
0x9f: {  	[tilespmem:s8], [sflag:$0x1] =	stream.indirect_vreg.gather [hbm4b:s1+s3], $0x80, v2, vm0, $0xb8;
	[tilespmem:$0x1E080] =	vst v63  }
0xa0: {  	s1 =	sld [smem:$0x7E6];
	_ =	sdelay $0x1  }
0xa1: {  	s8 =	simm.s32 $0x12080  }
0xa2: {  	[tilespmem:s8], [sflag:$0x1] =	stream.indirect_vreg.gather [hbm4b:s1+s3], $0x80, v2, vm0, $0xb8;
	[tilespmem:$0x1E080] =	vst v63  }
0xa3: {  	s1 =	sld [smem:$0x7E7];
	_ =	sdelay $0x1  }
0xa4: {  	s8 =	simm.s32 $0x12880  }
0xa5: {  	[tilespmem:s8], [sflag:$0x1] =	stream.indirect_vreg.gather [hbm4b:s1+s3], $0x80, v2, vm0, $0xb8;
	[tilespmem:$0x1E080] =	vst v63  }
0xa6: {  	s1 =	sld [smem:$0x7E8];
	_ =	sdelay $0x1  }
0xa7: {  	s8 =	simm.s32 $0x13080  }
0xa8: {  	[tilespmem:s8], [sflag:$0x1] =	stream.indirect_vreg.gather [hbm4b:s1+s3], $0x80, v2, vm0, $0xb8;
	[tilespmem:$0x1E080] =	vst v63  }
0xa9: {  	s1 =	sld [smem:$0x7E9];
	_ =	sdelay $0x1  }
0xaa: {  	s8 =	simm.s32 $0x13880  }
0xab: {  	[tilespmem:s8], [sflag:$0x1] =	stream.indirect_vreg.gather [hbm4b:s1+s3], $0x80, v2, vm0, $0xb8;
	[tilespmem:$0x1E080] =	vst v63  }
0xac: {  	s1 =	sld [smem:$0x7EA];
	_ =	sdelay $0x1  }
0xad: {  	s8 =	simm.s32 $0x14080  }
0xae: {  	[tilespmem:s8], [sflag:$0x1] =	stream.indirect_vreg.gather [hbm4b:s1+s3], $0x80, v2, vm0, $0xb8;
	[tilespmem:$0x1E080] =	vst v63  }
0xaf: {  	s1 =	sld [smem:$0x7EB];
	_ =	sdelay $0x1  }
0xb0: {  	s8 =	simm.s32 $0x14880  }
0xb1: {  	[tilespmem:s8], [sflag:$0x1] =	stream.indirect_vreg.gather [hbm4b:s1+s3], $0x80, v2, vm0, $0xb8;
	[tilespmem:$0x1E080] =	vst v63  }
0xb2: {  	s1 =	sld [smem:$0x7EC];
	_ =	sdelay $0x1  }
0xb3: {  	s8 =	simm.s32 $0x15080  }
0xb4: {  	[tilespmem:s8], [sflag:$0x1] =	stream.indirect_vreg.gather [hbm4b:s1+s3], $0x80, v2, vm0, $0xb8;
	[tilespmem:$0x1E080] =	vst v63  }
0xb5: {  	s1 =	sld [smem:$0x7ED];
	_ =	sdelay $0x1  }
0xb6: {  	s8 =	simm.s32 $0x15880  }
0xb7: {  	[tilespmem:s8], [sflag:$0x1] =	stream.indirect_vreg.gather [hbm4b:s1+s3], $0x80, v2, vm0, $0xb8;
	[tilespmem:$0x1E080] =	vst v63  }
0xb8: {  	s1 =	sld [smem:$0x7EE];
	_ =	sdelay $0x1  }
0xb9: {  	s8 =	simm.s32 $0x16080  }
0xba: {  	[tilespmem:s8], [sflag:$0x1] =	stream.indirect_vreg.gather [hbm4b:s1+s3], $0x80, v2, vm0, $0xb8;
	[tilespmem:$0x1E080] =	vst v63  }
0xbb: {  	s1 =	sld [smem:$0x7EF];
	_ =	sdelay $0x1  }
0xbc: {  	s8 =	simm.s32 $0x16880  }
0xbd: {  	[tilespmem:s8], [sflag:$0x1] =	stream.indirect_vreg.gather [hbm4b:s1+s3], $0x80, v2, vm0, $0xb8;
	[tilespmem:$0x1E080] =	vst v63  }
0xbe: {  	s1 =	sld [smem:$0x7F0];
	_ =	sdelay $0x1  }
0xbf: {  	s8 =	simm.s32 $0x17080  }
0xc0: {  	[tilespmem:s8], [sflag:$0x1] =	stream.indirect_vreg.gather [hbm4b:s1+s3], $0x80, v2, vm0, $0xb8;
	[tilespmem:$0x1E080] =	vst v63  }
0xc1: {  	s1 =	sld [smem:$0x7F1];
	_ =	sdelay $0x1  }
0xc2: {  	s8 =	simm.s32 $0x17880  }
0xc3: {  	[tilespmem:s8], [sflag:$0x1] =	stream.indirect_vreg.gather [hbm4b:s1+s3], $0x80, v2, vm0, $0xb8;
	[tilespmem:$0x1E080] =	vst v63  }
0xc4: {  	s1 =	sld [smem:$0x7F2];
	_ =	sdelay $0x1  }
0xc5: {  	s8 =	simm.s32 $0x18080  }
0xc6: {  	[tilespmem:s8], [sflag:$0x1] =	stream.indirect_vreg.gather [hbm4b:s1+s3], $0x80, v2, vm0, $0xb8;
	[tilespmem:$0x1E080] =	vst v63  }
0xc7: {  	s1 =	sld [smem:$0x7F3];
	_ =	sdelay $0x1  }
0xc8: {  	s8 =	simm.s32 $0x18880  }
0xc9: {  	[tilespmem:s8], [sflag:$0x1] =	stream.indirect_vreg.gather [hbm4b:s1+s3], $0x80, v2, vm0, $0xb8;
	[tilespmem:$0x1E080] =	vst v63  }
0xca: {  	s1 =	sld [smem:$0x7F4];
	_ =	sdelay $0x1  }
0xcb: {  	s8 =	simm.s32 $0x19080  }
0xcc: {  	[tilespmem:s8], [sflag:$0x1] =	stream.indirect_vreg.gather [hbm4b:s1+s3], $0x80, v2, vm0, $0xb8;
	[tilespmem:$0x1E080] =	vst v63  }
0xcd: {  	s1 =	sld [smem:$0x7F5];
	_ =	sdelay $0x1  }
0xce: {  	s8 =	simm.s32 $0x19880  }
0xcf: {  	[tilespmem:s8], [sflag:$0x1] =	stream.indirect_vreg.gather [hbm4b:s1+s3], $0x80, v2, vm0, $0xb8;
	[tilespmem:$0x1E080] =	vst v63  }
0xd0: {  	s1 =	sld [smem:$0x7F6];
	_ =	sdelay $0x1  }
0xd1: {  	s8 =	simm.s32 $0x1A080  }
0xd2: {  	[tilespmem:s8], [sflag:$0x1] =	stream.indirect_vreg.gather [hbm4b:s1+s3], $0x80, v2, vm0, $0xb8;
	[tilespmem:$0x1E080] =	vst v63  }
0xd3: {  	s1 =	sld [smem:$0x7F7];
	_ =	sdelay $0x1  }
0xd4: {  	s8 =	simm.s32 $0x1A880  }
0xd5: {  	[tilespmem:s8], [sflag:$0x1] =	stream.indirect_vreg.gather [hbm4b:s1+s3], $0x80, v2, vm0, $0xb8;
	[tilespmem:$0x1E080] =	vst v63  }
0xd6: {  	s1 =	sld [smem:$0x7F8];
	_ =	sdelay $0x1  }
0xd7: {  	s8 =	simm.s32 $0x1B080  }
0xd8: {  	[tilespmem:s8], [sflag:$0x1] =	stream.indirect_vreg.gather [hbm4b:s1+s3], $0x80, v2, vm0, $0xb8;
	[tilespmem:$0x1E080] =	vst v63  }
0xd9: {  	s1 =	sld [smem:$0x7F9];
	_ =	sdelay $0x1  }
0xda: {  	s8 =	simm.s32 $0x1B880  }
0xdb: {  	[tilespmem:s8], [sflag:$0x1] =	stream.indirect_vreg.gather [hbm4b:s1+s3], $0x80, v2, vm0, $0xb8;
	[tilespmem:$0x1E080] =	vst v63  }
0xdc: {  	s1 =	sld [smem:$0x7FA];
	_ =	sdelay $0x1  }
0xdd: {  	s8 =	simm.s32 $0x1C080  }
0xde: {  	[tilespmem:s8], [sflag:$0x1] =	stream.indirect_vreg.gather [hbm4b:s1+s3], $0x80, v2, vm0, $0xb8;
	[tilespmem:$0x1E080] =	vst v63  }
0xdf: {  	s1 =	sld [smem:$0x7FB];
	_ =	sdelay $0x1  }
0xe0: {  	s8 =	simm.s32 $0x1C880  }
0xe1: {  	[tilespmem:s8], [sflag:$0x1] =	stream.indirect_vreg.gather [hbm4b:s1+s3], $0x80, v2, vm0, $0xb8;
	[tilespmem:$0x1E080] =	vst v63  }
0xe2: {  	s1 =	sld [smem:$0x7FC];
	_ =	sdelay $0x1  }
0xe3: {  	s8 =	simm.s32 $0x1D080  }
0xe4: {  	[tilespmem:s8], [sflag:$0x1] =	stream.indirect_vreg.gather [hbm4b:s1+s3], $0x80, v2, vm0, $0xb8;
	[tilespmem:$0x1E080] =	vst v63  }
0xe5: {  	s1 =	sld [smem:$0x7FD];
	_ =	sdelay $0x1  }
0xe6: {  	s2 =	simm.s32 $0x1;
	s8 =	simm.s32 $0x1D880  }
0xe7: {  	[tilespmem:s8], [sflag:$0x1] =	stream.indirect_vreg.gather [hbm4b:s1+s3], $0x80, v2, vm0, $0xb8;
	[tilespmem:$0x1E080] =	vst v63  }
0xe8: {  	_ =	swait.ge [sflag:s2], $0x1E000  }
0xe9: {  	[sflag:s2] =	ssyncset.done $0x0  }
0xea: {  	s1 =	simm.s32 $0x80;
	s8 =	rddreg [dreg:$0x6];
	[sflag:s2] =	ssyncadd.s32 $0xFFFE2000  }
0xeb: {  	[hbm4b:s8+s3] =	stream.linear.scatter [tilespmem:s1], [sflag:$0x2], $0x1E000, $0x38;
	[tilespmem:$0x1E080] =	vst v63  }
0xec: {  	_ =	swait.ge [sflag:s0], $0x1E000  }
0xed: {  	[sflag:s0] =	ssyncset.done $0x0  }
0xee: {  	s8 =	rddreg [dreg:$0x7];
	[sflag:s0] =	ssyncadd.s32 $0xFFFE2000  }
0xef: {  	[tilespmem:s3], [sflag:$0x2] =	stream.linear.gather [hbm4b:s8+s3], $0x8, $0x38;
	[tilespmem:$0x1E080] =	vst v63  }
0xf0: {  	_ =	swait.ge [sflag:s0], $0x8  }
0xf1: {  	[sflag:s0] =	ssyncset.done $0x0  }
0xf2: {  	[sflag:s0] =	ssyncadd.s32 $0xFFFFFFF8  }
0xf3: {  	v2 =	vld.msk [tilespmem:$0x0], $0xff;
	_ =	sdelay $0x4  }
0xf4: {  	v3 =	vshrl.u32 v2, $0x3  }
0xf5: {  	v3 =	vmul.u32 $0x3C0, v3  }
0xf6: {  	v2 =	vand.u32 $0x7, v2  }
0xf7: {  	v2 =	vor.u32 v2, v3  }
0xf8: {  	v2 =	vperm.xlane v2, v0;
	_ =	sdelay $0x1  }
0xf9: {  	v2 =	vadd.s32 v1, v2;
	_ =	sdelay $0x3  }
0xfa: {  	s8 =	rddreg [dreg:$0x0]  }
0xfb: {  	[tilespmem:s1], [sflag:$0x1] =	stream.indirect_vreg.gather [hbm4b:s8+s3], $0x80, v2, vm0, $0xb8;
	[tilespmem:$0x1E080] =	vst v63  }
0xfc: {  	s8 =	simm.s32 $0x880  }
0xfd: {  	[tilespmem:s8], [sflag:$0x1] =	stream.indirect_vreg.gather [hbm4b:s10+s3], $0x80, v2, vm0, $0xb8;
	[tilespmem:$0x1E080] =	vst v63  }
0xfe: {  	s10 =	simm.s32 $0x1080  }
0xff: {  	[tilespmem:s10], [sflag:$0x1] =	stream.indirect_vreg.gather [hbm4b:s11+s3], $0x80, v2, vm0, $0xb8;
	[tilespmem:$0x1E080] =	vst v63  }
0x100: {  	s11 =	simm.s32 $0x1880  }
0x101: {  	[tilespmem:s11], [sflag:$0x1] =	stream.indirect_vreg.gather [hbm4b:s12+s3], $0x80, v2, vm0, $0xb8;
	[tilespmem:$0x1E080] =	vst v63  }
0x102: {  	s12 =	simm.s32 $0x2080  }
0x103: {  	[tilespmem:s12], [sflag:$0x1] =	stream.indirect_vreg.gather [hbm4b:s13+s3], $0x80, v2, vm0, $0xb8;
	[tilespmem:$0x1E080] =	vst v63  }
0x104: {  	s13 =	simm.s32 $0x2880  }
0x105: {  	[tilespmem:s13], [sflag:$0x1] =	stream.indirect_vreg.gather [hbm4b:s14+s3], $0x80, v2, vm0, $0xb8;
	[tilespmem:$0x1E080] =	vst v63  }
0x106: {  	s14 =	simm.s32 $0x3080  }
0x107: {  	[tilespmem:s14], [sflag:$0x1] =	stream.indirect_vreg.gather [hbm4b:s15+s3], $0x80, v2, vm0, $0xb8;
	[tilespmem:$0x1E080] =	vst v63  }
0x108: {  	s15 =	simm.s32 $0x3880  }
0x109: {  	[tilespmem:s15], [sflag:$0x1] =	stream.indirect_vreg.gather [hbm4b:s16+s3], $0x80, v2, vm0, $0xb8;
	[tilespmem:$0x1E080] =	vst v63  }
0x10a: {  	s16 =	simm.s32 $0x4080  }
0x10b: {  	[tilespmem:s16], [sflag:$0x1] =	stream.indirect_vreg.gather [hbm4b:s17+s3], $0x80, v2, vm0, $0xb8;
	[tilespmem:$0x1E080] =	vst v63  }
0x10c: {  	s17 =	simm.s32 $0x4880  }
0x10d: {  	[tilespmem:s17], [sflag:$0x1] =	stream.indirect_vreg.gather [hbm4b:s18+s3], $0x80, v2, vm0, $0xb8;
	[tilespmem:$0x1E080] =	vst v63  }
0x10e: {  	s18 =	simm.s32 $0x5080  }
0x10f: {  	[tilespmem:s18], [sflag:$0x1] =	stream.indirect_vreg.gather [hbm4b:s19+s3], $0x80, v2, vm0, $0xb8;
	[tilespmem:$0x1E080] =	vst v63  }
0x110: {  	s19 =	simm.s32 $0x5880  }
0x111: {  	[tilespmem:s19], [sflag:$0x1] =	stream.indirect_vreg.gather [hbm4b:s20+s3], $0x80, v2, vm0, $0xb8;
	[tilespmem:$0x1E080] =	vst v63  }
0x112: {  	s20 =	simm.s32 $0x6080  }
0x113: {  	[tilespmem:s20], [sflag:$0x1] =	stream.indirect_vreg.gather [hbm4b:s21+s3], $0x80, v2, vm0, $0xb8;
	[tilespmem:$0x1E080] =	vst v63  }
0x114: {  	s21 =	simm.s32 $0x6880  }
0x115: {  	[tilespmem:s21], [sflag:$0x1] =	stream.indirect_vreg.gather [hbm4b:s22+s3], $0x80, v2, vm0, $0xb8;
	[tilespmem:$0x1E080] =	vst v63  }
0x116: {  	s22 =	simm.s32 $0x7080  }
0x117: {  	[tilespmem:s22], [sflag:$0x1] =	stream.indirect_vreg.gather [hbm4b:s23+s3], $0x80, v2, vm0, $0xb8;
	[tilespmem:$0x1E080] =	vst v63  }
0x118: {  	s23 =	simm.s32 $0x7880  }
0x119: {  	[tilespmem:s23], [sflag:$0x1] =	stream.indirect_vreg.gather [hbm4b:s24+s3], $0x80, v2, vm0, $0xb8;
	[tilespmem:$0x1E080] =	vst v63  }
0x11a: {  	s24 =	simm.s32 $0x8080  }
0x11b: {  	[tilespmem:s24], [sflag:$0x1] =	stream.indirect_vreg.gather [hbm4b:s26+s3], $0x80, v2, vm0, $0xb8;
	[tilespmem:$0x1E080] =	vst v63  }
0x11c: {  	s26 =	simm.s32 $0x8880  }
0x11d: {  	[tilespmem:s26], [sflag:$0x1] =	stream.indirect_vreg.gather [hbm4b:s28+s3], $0x80, v2, vm0, $0xb8;
	[tilespmem:$0x1E080] =	vst v63  }
0x11e: {  	s28 =	simm.s32 $0x9080  }
0x11f: {  	[tilespmem:s28], [sflag:$0x1] =	stream.indirect_vreg.gather [hbm4b:s29+s3], $0x80, v2, vm0, $0xb8;
	[tilespmem:$0x1E080] =	vst v63  }
0x120: {  	s29 =	simm.s32 $0x9880  }
0x121: {  	[tilespmem:s29], [sflag:$0x1] =	stream.indirect_vreg.gather [hbm4b:s30+s3], $0x80, v2, vm0, $0xb8;
	[tilespmem:$0x1E080] =	vst v63  }
0x122: {  	s30 =	simm.s32 $0xA080  }
0x123: {  	[tilespmem:s30], [sflag:$0x1] =	stream.indirect_vreg.gather [hbm4b:s31+s3], $0x80, v2, vm0, $0xb8;
	[tilespmem:$0x1E080] =	vst v63  }
0x124: {  	s8 =	rddreg [dreg:$0x1d];
	s10 =	simm.s32 $0xA880  }
0x125: {  	[tilespmem:s10], [sflag:$0x1] =	stream.indirect_vreg.gather [hbm4b:s8+s3], $0x80, v2, vm0, $0xb8;
	[tilespmem:$0x1E080] =	vst v63  }
0x126: {  	s11 =	rddreg [dreg:$0x1e];
	s12 =	simm.s32 $0xB080  }
0x127: {  	[tilespmem:s12], [sflag:$0x1] =	stream.indirect_vreg.gather [hbm4b:s11+s3], $0x80, v2, vm0, $0xb8;
	[tilespmem:$0x1E080] =	vst v63  }
0x128: {  	s13 =	rddreg [dreg:$0x1f];
	s14 =	simm.s32 $0xB880  }
0x129: {  	[tilespmem:s14], [sflag:$0x1] =	stream.indirect_vreg.gather [hbm4b:s13+s3], $0x80, v2, vm0, $0xb8;
	[tilespmem:$0x1E080] =	vst v63  }
0x12a: {  	s15 =	simm.s32 $0xC080  }
0x12b: {  	[tilespmem:s15], [sflag:$0x1] =	stream.indirect_vreg.gather [hbm4b:s4+s3], $0x80, v2, vm0, $0xb8;
	[tilespmem:$0x1E080] =	vst v63  }
0x12c: {  	s16 =	simm.s32 $0xC880  }
0x12d: {  	[tilespmem:s16], [sflag:$0x1] =	stream.indirect_vreg.gather [hbm4b:s6+s3], $0x80, v2, vm0, $0xb8;
	[tilespmem:$0x1E080] =	vst v63  }
0x12e: {  	s17 =	simm.s32 $0xD080  }
0x12f: {  	[tilespmem:s17], [sflag:$0x1] =	stream.indirect_vreg.gather [hbm4b:s7+s3], $0x80, v2, vm0, $0xb8;
	[tilespmem:$0x1E080] =	vst v63  }
0x130: {  	s18 =	simm.s32 $0xD880  }
0x131: {  	[tilespmem:s18], [sflag:$0x1] =	stream.indirect_vreg.gather [hbm4b:s5+s3], $0x80, v2, vm0, $0xb8;
	[tilespmem:$0x1E080] =	vst v63  }
0x132: {  	s19 =	simm.s32 $0xE080  }
0x133: {  	[tilespmem:s19], [sflag:$0x1] =	stream.indirect_vreg.gather [hbm4b:s9+s3], $0x80, v2, vm0, $0xb8;
	[tilespmem:$0x1E080] =	vst v63  }
0x134: {  	s20 =	simm.s32 $0xE880;
	s22 =	sld [smem:$0x7E0]  }
0x135: {  	[tilespmem:s20], [sflag:$0x1] =	stream.indirect_vreg.gather [hbm4b:s25+s3], $0x80, v2, vm0, $0xb8;
	[tilespmem:$0x1E080] =	vst v63  }
0x136: {  	s21 =	simm.s32 $0xF080;
	s24 =	sld [smem:$0x7E1]  }
0x137: {  	[tilespmem:s21], [sflag:$0x1] =	stream.indirect_vreg.gather [hbm4b:s22+s3], $0x80, v2, vm0, $0xb8;
	[tilespmem:$0x1E080] =	vst v63  }
0x138: {  	s23 =	simm.s32 $0xF880;
	s26 =	sld [smem:$0x7E2]  }
0x139: {  	[tilespmem:s23], [sflag:$0x1] =	stream.indirect_vreg.gather [hbm4b:s24+s3], $0x80, v2, vm0, $0xb8;
	[tilespmem:$0x1E080] =	vst v63  }
0x13a: {  	s29 =	sld [smem:$0x7E3];
	s25 =	simm.s32 $0x10080  }
0x13b: {  	[tilespmem:s25], [sflag:$0x1] =	stream.indirect_vreg.gather [hbm4b:s26+s3], $0x80, v2, vm0, $0xb8;
	[tilespmem:$0x1E080] =	vst v63  }
0x13c: {  	s28 =	simm.s32 $0x10880;
	s31 =	sld [smem:$0x7E4]  }
0x13d: {  	[tilespmem:s28], [sflag:$0x1] =	stream.indirect_vreg.gather [hbm4b:s29+s3], $0x80, v2, vm0, $0xb8;
	[tilespmem:$0x1E080] =	vst v63  }
0x13e: {  	s30 =	simm.s32 $0x11080;
	s6 =	sld [smem:$0x7E5]  }
0x13f: {  	[tilespmem:s30], [sflag:$0x1] =	stream.indirect_vreg.gather [hbm4b:s31+s3], $0x80, v2, vm0, $0xb8;
	[tilespmem:$0x1E080] =	vst v63  }
0x140: {  	s8 =	sld [smem:$0x7E6];
	s5 =	simm.s32 $0x11880  }
0x141: {  	[tilespmem:s5], [sflag:$0x1] =	stream.indirect_vreg.gather [hbm4b:s6+s3], $0x80, v2, vm0, $0xb8;
	[tilespmem:$0x1E080] =	vst v63  }
0x142: {  	s10 =	sld [smem:$0x7E7];
	s7 =	simm.s32 $0x12080  }
0x143: {  	[tilespmem:s7], [sflag:$0x1] =	stream.indirect_vreg.gather [hbm4b:s8+s3], $0x80, v2, vm0, $0xb8;
	[tilespmem:$0x1E080] =	vst v63  }
0x144: {  	s12 =	sld [smem:$0x7E8];
	s9 =	simm.s32 $0x12880  }
0x145: {  	[tilespmem:s9], [sflag:$0x1] =	stream.indirect_vreg.gather [hbm4b:s10+s3], $0x80, v2, vm0, $0xb8;
	[tilespmem:$0x1E080] =	vst v63  }
0x146: {  	s11 =	simm.s32 $0x13080;
	s14 =	sld [smem:$0x7E9]  }
0x147: {  	[tilespmem:s11], [sflag:$0x1] =	stream.indirect_vreg.gather [hbm4b:s12+s3], $0x80, v2, vm0, $0xb8;
	[tilespmem:$0x1E080] =	vst v63  }
0x148: {  	s13 =	simm.s32 $0x13880;
	s16 =	sld [smem:$0x7EA]  }
0x149: {  	[tilespmem:s13], [sflag:$0x1] =	stream.indirect_vreg.gather [hbm4b:s14+s3], $0x80, v2, vm0, $0xb8;
	[tilespmem:$0x1E080] =	vst v63  }
0x14a: {  	s15 =	simm.s32 $0x14080;
	s18 =	sld [smem:$0x7EB]  }
0x14b: {  	[tilespmem:s15], [sflag:$0x1] =	stream.indirect_vreg.gather [hbm4b:s16+s3], $0x80, v2, vm0, $0xb8;
	[tilespmem:$0x1E080] =	vst v63  }
0x14c: {  	s17 =	simm.s32 $0x14880;
	s20 =	sld [smem:$0x7EC]  }
0x14d: {  	[tilespmem:s17], [sflag:$0x1] =	stream.indirect_vreg.gather [hbm4b:s18+s3], $0x80, v2, vm0, $0xb8;
	[tilespmem:$0x1E080] =	vst v63  }
0x14e: {  	s19 =	simm.s32 $0x15080;
	s22 =	sld [smem:$0x7ED]  }
0x14f: {  	[tilespmem:s19], [sflag:$0x1] =	stream.indirect_vreg.gather [hbm4b:s20+s3], $0x80, v2, vm0, $0xb8;
	[tilespmem:$0x1E080] =	vst v63  }
0x150: {  	s21 =	simm.s32 $0x15880;
	s24 =	sld [smem:$0x7EE]  }
0x151: {  	[tilespmem:s21], [sflag:$0x1] =	stream.indirect_vreg.gather [hbm4b:s22+s3], $0x80, v2, vm0, $0xb8;
	[tilespmem:$0x1E080] =	vst v63  }
0x152: {  	s23 =	simm.s32 $0x16080;
	s26 =	sld [smem:$0x7EF]  }
0x153: {  	[tilespmem:s23], [sflag:$0x1] =	stream.indirect_vreg.gather [hbm4b:s24+s3], $0x80, v2, vm0, $0xb8;
	[tilespmem:$0x1E080] =	vst v63  }
0x154: {  	s25 =	simm.s32 $0x16880;
	s29 =	sld [smem:$0x7F0]  }
0x155: {  	[tilespmem:s25], [sflag:$0x1] =	stream.indirect_vreg.gather [hbm4b:s26+s3], $0x80, v2, vm0, $0xb8;
	[tilespmem:$0x1E080] =	vst v63  }
0x156: {  	s28 =	simm.s32 $0x17080;
	s31 =	sld [smem:$0x7F1]  }
0x157: {  	[tilespmem:s28], [sflag:$0x1] =	stream.indirect_vreg.gather [hbm4b:s29+s3], $0x80, v2, vm0, $0xb8;
	[tilespmem:$0x1E080] =	vst v63  }
0x158: {  	s30 =	simm.s32 $0x17880;
	s6 =	sld [smem:$0x7F2]  }
0x159: {  	[tilespmem:s30], [sflag:$0x1] =	stream.indirect_vreg.gather [hbm4b:s31+s3], $0x80, v2, vm0, $0xb8;
	[tilespmem:$0x1E080] =	vst v63  }
0x15a: {  	s5 =	simm.s32 $0x18080;
	s8 =	sld [smem:$0x7F3]  }
0x15b: {  	[tilespmem:s5], [sflag:$0x1] =	stream.indirect_vreg.gather [hbm4b:s6+s3], $0x80, v2, vm0, $0xb8;
	[tilespmem:$0x1E080] =	vst v63  }
0x15c: {  	s7 =	simm.s32 $0x18880;
	s10 =	sld [smem:$0x7F4]  }
0x15d: {  	[tilespmem:s7], [sflag:$0x1] =	stream.indirect_vreg.gather [hbm4b:s8+s3], $0x80, v2, vm0, $0xb8;
	[tilespmem:$0x1E080] =	vst v63  }
0x15e: {  	s9 =	simm.s32 $0x19080;
	s12 =	sld [smem:$0x7F5]  }
0x15f: {  	[tilespmem:s9], [sflag:$0x1] =	stream.indirect_vreg.gather [hbm4b:s10+s3], $0x80, v2, vm0, $0xb8;
	[tilespmem:$0x1E080] =	vst v63  }
0x160: {  	s11 =	simm.s32 $0x19880;
	s14 =	sld [smem:$0x7F6]  }
0x161: {  	[tilespmem:s11], [sflag:$0x1] =	stream.indirect_vreg.gather [hbm4b:s12+s3], $0x80, v2, vm0, $0xb8;
	[tilespmem:$0x1E080] =	vst v63  }
0x162: {  	s13 =	simm.s32 $0x1A080;
	s16 =	sld [smem:$0x7F7]  }
0x163: {  	[tilespmem:s13], [sflag:$0x1] =	stream.indirect_vreg.gather [hbm4b:s14+s3], $0x80, v2, vm0, $0xb8;
	[tilespmem:$0x1E080] =	vst v63  }
0x164: {  	s15 =	simm.s32 $0x1A880;
	s18 =	sld [smem:$0x7F8]  }
0x165: {  	[tilespmem:s15], [sflag:$0x1] =	stream.indirect_vreg.gather [hbm4b:s16+s3], $0x80, v2, vm0, $0xb8;
	[tilespmem:$0x1E080] =	vst v63  }
0x166: {  	s17 =	simm.s32 $0x1B080;
	s20 =	sld [smem:$0x7F9]  }
0x167: {  	[tilespmem:s17], [sflag:$0x1] =	stream.indirect_vreg.gather [hbm4b:s18+s3], $0x80, v2, vm0, $0xb8;
	[tilespmem:$0x1E080] =	vst v63  }
0x168: {  	s19 =	simm.s32 $0x1B880;
	s22 =	sld [smem:$0x7FA]  }
0x169: {  	[tilespmem:s19], [sflag:$0x1] =	stream.indirect_vreg.gather [hbm4b:s20+s3], $0x80, v2, vm0, $0xb8;
	[tilespmem:$0x1E080] =	vst v63  }
0x16a: {  	s21 =	simm.s32 $0x1C080;
	s24 =	sld [smem:$0x7FB]  }
0x16b: {  	[tilespmem:s21], [sflag:$0x1] =	stream.indirect_vreg.gather [hbm4b:s22+s3], $0x80, v2, vm0, $0xb8;
	[tilespmem:$0x1E080] =	vst v63  }
0x16c: {  	s23 =	simm.s32 $0x1C880;
	s26 =	sld [smem:$0x7FC]  }
0x16d: {  	[tilespmem:s23], [sflag:$0x1] =	stream.indirect_vreg.gather [hbm4b:s24+s3], $0x80, v2, vm0, $0xb8;
	[tilespmem:$0x1E080] =	vst v63  }
0x16e: {  	s25 =	simm.s32 $0x1D080;
	s29 =	sld [smem:$0x7FD]  }
0x16f: {  	[tilespmem:s25], [sflag:$0x1] =	stream.indirect_vreg.gather [hbm4b:s26+s3], $0x80, v2, vm0, $0xb8;
	[tilespmem:$0x1E080] =	vst v63  }
0x170: {  	s1 =	sld [smem:$0x7D9];
	s28 =	simm.s32 $0x1D880  }
0x171: {  	[tilespmem:s28], [sflag:$0x1] =	stream.indirect_vreg.gather [hbm4b:s29+s3], $0x80, v2, vm0, $0xb8;
	[tilespmem:$0x1E080] =	vst v63  }
0x172: {  	_ =	swait.ge [sflag:s2], $0x1E000  }
0x173: {  	p0 =	sne.s32 s1, $0x1;
	s31 =	simm.s32 $0x80;
	[sflag:s2] =	ssyncset.done $0x0  }
.Ltmp0:
0x174: {  	s30 =	rddreg [dreg:$0x8];
	[sflag:s2] =	ssyncadd.s32 $0xFFFE2000;
	(pc) =	sbr.rel @p0 .LBB2_1-.Ltmp0, $4  }
0x175: {  	[hbm4b:s30+s3] =	stream.linear.scatter [tilespmem:s31], [sflag:$0x2], $0x1E000, $0x38;
	[tilespmem:$0x1E080] =	vst v63  }
0x176: {  	_ =	swait.ge [sflag:s0], $0x1E000  }
0x177: {  	[sflag:s0] =	ssyncset.done $0x0  }
0x178: {  	s1 =	sadd.s32 $0xFFFFFFFF, s1;
	[sflag:s0] =	ssyncadd.s32 $0xFFFE2000  }
0x179: {  	_ =	sfence.sel $0x180000  }
0x17a: {  	[bflag:$0x0] =	sbarrier.arrive $0xFFFF  }
0x17b: {  	_ =	strace $0x90000047  }
0x17c: {  	s0 =	stileid.u32;
	[bflag:$0x2] =	sbarrier.arrive $0xFFFF  }
0x17d: {  	p0 =	sne.s32 s0, $0x0;
	s0 =	rddreg [dreg:$0x4]  }
0x17e: {  	s0 =	sadd.s32 @!p0 $0x100000, s0  }
0x17f: {  	[sflag:s0] =	ssyncadd.tile.s32 @!p0 $0x1;
	_ =	shalt  }
.Lfunc_end2:
_tile_overlayer_lowered:
.L_overlay_start_2:
0x180: {  	(tag) =	ssettag $0x2  }
0x181: {  	s0 =	rddreg [dreg:$0x0];
	s2 =	stileid.u32  }
0x182: {  	s1 =	rddreg [dreg:$0x1];
	p0 =	sne.s32 s2, $0x0  }
0x183: {  	s3 =	rddreg [dreg:$0x2];
	[bflag:$0x3] =	sbarrier.arrive $0xFFFF;
	s2 =	simm.s32 @!p0 $0x1C02  }
0x184: {  	[timem:s3], [sflag:s2] =	dma.local @!p0 [hbm:s0], s1  }
0x185: {  	s0 =	simm.s32 @!p0 $0x2  }
0x186: {  	_ =	swait.ge @!p0 [sflag:s0], s1  }
0x187: {  	s1 =	ssub.s32 @!p0 $0x0, s1;
	[sflag:s0] =	ssyncset.done @!p0 $0x0  }
0x188: {  	[sflag:s0] =	ssyncadd.s32 @!p0 s1  }
0x189: {  	[bflag:$0x3] =	sbarrier.arrive $0xFFFF  }
0x18a: {  	_ =	shalt  }

</sc_bundles>
